<compile_context>
chip_gen: v7x
topology: tpu7x:2x2x1
jax: 0.10.2.dev20260603
libtpu: 0.0.44.dev20260713+nightly
codegen_flags: <defaults>
</compile_context>

<pallas_src>
import functools

import jax
import jax.numpy as jnp
from jax import lax
from jax.experimental import pallas as pl
from jax.experimental.pallas import tpu as pltpu
from jax.experimental.pallas import tpu_sc as plsc

BATCH = 4
SEQ = 8192
D_MODEL = 128
B = BATCH * SEQ
NC = 2
NS = 16
NW = NC * NS
B_PER_W = B // NW
CHUNK = 256
NCHUNK = B_PER_W // CHUNK
NBUF = 3
LAG = 2
W_PER_ROW = SEQ // B_PER_W


def _gather_kernel(idx_hbm, table_hbm, out_hbm, idx_v, rows_v, gsems, wsems):
    wid = lax.axis_index("s") * NC + lax.axis_index("c")
    base = wid * B_PER_W
    row = wid // W_PER_ROW
    col = (wid % W_PER_ROW) * B_PER_W
    pltpu.sync_copy(idx_hbm.at[row, pl.ds(col, B_PER_W)], idx_v)
    gd = [None] * NCHUNK
    wd = [None] * NCHUNK

    def write_back(j):
        gd[j].wait()
        wd[j] = pltpu.async_copy(
            rows_v.at[j % NBUF],
            out_hbm.at[pl.ds(base + j * CHUNK, CHUNK)],
            wsems.at[j % NBUF],
        )

    for i in range(NCHUNK):
        b = i % NBUF
        if i >= NBUF:
            wd[i - NBUF].wait()
        gd[i] = pltpu.async_copy(
            table_hbm.at[idx_v.at[pl.ds(i * CHUNK, CHUNK)]],
            rows_v.at[b],
            gsems.at[b],
        )
        if i >= LAG:
            write_back(i - LAG)
    for j in range(max(0, NCHUNK - LAG), NCHUNK):
        write_back(j)
    for j in range(max(0, NCHUNK - NBUF), NCHUNK):
        wd[j].wait()


@jax.jit
def _embed(inputs, wte):
    mesh = plsc.VectorSubcoreMesh(core_axis_name="c", subcore_axis_name="s")
    k = functools.partial(
        pl.kernel,
        mesh=mesh,
        out_type=jax.ShapeDtypeStruct((B, D_MODEL), jnp.float32),
        scratch_types=[
            pltpu.VMEM((B_PER_W,), jnp.int32),
            pltpu.VMEM((NBUF, CHUNK, D_MODEL), jnp.float32),
            pltpu.SemaphoreType.DMA((NBUF,)),
            pltpu.SemaphoreType.DMA((NBUF,)),
        ],
    )(_gather_kernel)
    return k(inputs, wte)


def kernel(inputs, wte):
    out = _embed(inputs, wte)
    return out.reshape(BATCH, SEQ, D_MODEL)

# --- scband reference (transcript-rebuilt; emitter-appended) ---
"""Pipeline reference for scband-benchmark-gpt-7404523618473 (READ-ONLY COPY).

The authoritative reference and input builder live on the scoring server;
editing this copy changes nothing except your own understanding.
"""

import jax, jax.numpy as jnp
import numpy as np

VOCAB = 1000000
D_MODEL = 128
BATCH = 4
SEQ = 8192

def setup_inputs(seed: int = 0) -> dict:
    key = jax.random.key(seed)
    k1, k2 = jax.random.split(key)
    inputs = jax.random.randint(k1, (BATCH, SEQ), 0, VOCAB, dtype=jnp.int64 if jax.config.jax_enable_x64 else jnp.int32).astype(jnp.int32)
    wte = jax.random.normal(k2, (VOCAB, D_MODEL), dtype=jnp.float32)
    return {"inputs": inputs, "wte": wte}

def reference(inputs, wte):
    # BenchmarkGPT.forward with targets=None: logits = self.wte(inputs); loss = None
    logits = jnp.take(wte, inputs, axis=0)
    return logits

if __name__ == "__main__":
    import jax
    _d = setup_inputs()
    print(jax.jit(kernel)(*tuple(_d.values())))

</pallas_src>

<mosaic_0001>
#map = affine_map<(d0, d1) -> (0, 0)>
module attributes {stable_mosaic.version = 14 : i64} {
  func.func @_gather_kernel(%arg0: i32, %arg1: i32, %arg2: memref<4x8192xi32, #tpu.memory_space<hbm>>, %arg3: memref<1000000x128xf32, #tpu.memory_space<hbm>>, %arg4: memref<32768x128xf32, #tpu.memory_space<hbm>>, %arg5: memref<1024xi32, #tpu.memory_space<vmem>>, %arg6: memref<3x256x128xf32, #tpu.memory_space<vmem>>, %arg7: memref<3x!tpu.dma_semaphore, #tpu.memory_space<semaphore_mem>>, %arg8: memref<3x!tpu.dma_semaphore, #tpu.memory_space<semaphore_mem>>) attributes {dimension_semantics = [#tpu.dimension_semantics<core_parallel>, #tpu.dimension_semantics<subcore_parallel>], iteration_bounds = array<i64: 2, 16>, scalar_prefetch = 0 : i64, scratch_operands = 4 : i64, tpu.core_type = #tpu.core_type<sc_vector_subcore>, window_params = [{transform_indices = #map}, {transform_indices = #map}, {transform_indices = #map}]} {
    %mul3A = arith.constant 2 : i32
    %mul3A_0 = arith.muli %arg1, %mul3A : i32
    %add3A = arith.addi %mul3A_0, %arg0 : i32
    %mul3A_1 = arith.constant 1024 : i32
    %mul3A_2 = arith.muli %add3A, %mul3A_1 : i32
    %jit3A = arith.constant 8 : i32
    %div3A = arith.divsi %add3A, %jit3A : i32
    %sign3A = arith.constant 0 : i32
    %sign3A_3 = arith.cmpi sgt, %add3A, %sign3A : i32
    %sign3A_4 = arith.extui %sign3A_3 : i1 to i32
    %sign3A_5 = arith.constant 0 : i32
    %sign3A_6 = arith.cmpi slt, %add3A, %sign3A_5 : i32
    %sign3A_7 = arith.extui %sign3A_6 : i1 to i32
    %sign3A_8 = arith.subi %sign3A_4, %sign3A_7 : i32
    %sign3A_9 = arith.constant 0 : i32
    %sign3A_10 = arith.cmpi sgt, %jit3A, %sign3A_9 : i32
    %sign3A_11 = arith.extui %sign3A_10 : i1 to i32
    %sign3A_12 = arith.constant 0 : i32
    %sign3A_13 = arith.cmpi slt, %jit3A, %sign3A_12 : i32
    %sign3A_14 = arith.extui %sign3A_13 : i1 to i32
    %sign3A_15 = arith.subi %sign3A_11, %sign3A_14 : i32
    %ne3A = arith.cmpi ne, %sign3A_8, %sign3A_15 : i32
    %rem3A = arith.remsi %add3A, %jit3A : i32
    %ne3A_16 = arith.constant 0 : i32
    %ne3A_17 = arith.cmpi ne, %rem3A, %ne3A_16 : i32
    %and3A = arith.andi %ne3A, %ne3A_17 : i1
    %sub3A = arith.constant 1 : i32
    %sub3A_18 = arith.subi %div3A, %sub3A : i32
    %select_n3A = arith.select %and3A, %sub3A_18, %div3A : i32
    %jit3A_19 = arith.constant 8 : i32
    %eq3A = arith.constant 0 : i32
    %eq3A_20 = arith.cmpi eq, %jit3A_19, %eq3A : i32
    %jit3A_21 = arith.constant 1 : i32
    %select_n3A_22 = arith.select %eq3A_20, %jit3A_21, %jit3A_19 : i32
    %rem3A_23 = arith.remsi %add3A, %select_n3A_22 : i32
    %ne3A_24 = arith.constant 0 : i32
    %ne3A_25 = arith.cmpi ne, %rem3A_23, %ne3A_24 : i32
    %lt3A = arith.constant 0 : i32
    %lt3A_26 = arith.cmpi slt, %rem3A_23, %lt3A : i32
    %lt3A_27 = arith.constant 0 : i32
    %lt3A_28 = arith.cmpi slt, %select_n3A_22, %lt3A_27 : i32
    %ne3A_29 = arith.xori %lt3A_26, %lt3A_28 : i1
    %and3A_30 = arith.andi %ne3A_29, %ne3A_25 : i1
    %add3A_31 = arith.addi %rem3A_23, %select_n3A_22 : i32
    %select_n3A_32 = arith.select %and3A_30, %add3A_31, %rem3A_23 : i32
    %mul3A_33 = arith.constant 1024 : i32
    %mul3A_34 = arith.muli %select_n3A_32, %mul3A_33 : i32
    "tpu.region"() ({
      %run_scoped3A = tpu.sem_alloc : memref<!tpu.dma_semaphore, #tpu.memory_space<semaphore_mem>>
      %dma_start3A_273 = tpu.memref_slice %arg2[%select_n3A, %mul3A_34] : memref<4x8192xi32, #tpu.memory_space<hbm>> -> memref<1x1024xi32, #tpu.memory_space<hbm>>
      %dma_start3A_274 = tpu.memref_squeeze %dma_start3A_273 : memref<1x1024xi32, #tpu.memory_space<hbm>> -> memref<1024xi32, #tpu.memory_space<hbm>>
      %dma_start3A_275 = tpu.memref_slice %arg2[%select_n3A, %mul3A_34] : memref<4x8192xi32, #tpu.memory_space<hbm>> -> memref<1x1024xi32, #tpu.memory_space<hbm>>
      %dma_start3A_276 = tpu.memref_squeeze %dma_start3A_275 : memref<1x1024xi32, #tpu.memory_space<hbm>> -> memref<1024xi32, #tpu.memory_space<hbm>>
      tpu.enqueue_dma source(%dma_start3A_276 : memref<1024xi32, #tpu.memory_space<hbm>>) target(%arg5 : memref<1024xi32, #tpu.memory_space<vmem>>) target_semaphore(%run_scoped3A : memref<!tpu.dma_semaphore, #tpu.memory_space<semaphore_mem>>)
      %dma_wait3A_277 = tpu.memref_slice %arg2[%select_n3A, %mul3A_34] : memref<4x8192xi32, #tpu.memory_space<hbm>> -> memref<1x1024xi32, #tpu.memory_space<hbm>>
      %dma_wait3A_278 = tpu.memref_squeeze %dma_wait3A_277 : memref<1x1024xi32, #tpu.memory_space<hbm>> -> memref<1024xi32, #tpu.memory_space<hbm>>
      %dma_wait3A_279 = tpu.memref_slice %arg2[%select_n3A, %mul3A_34] : memref<4x8192xi32, #tpu.memory_space<hbm>> -> memref<1x1024xi32, #tpu.memory_space<hbm>>
      %dma_wait3A_280 = tpu.memref_squeeze %dma_wait3A_279 : memref<1x1024xi32, #tpu.memory_space<hbm>> -> memref<1024xi32, #tpu.memory_space<hbm>>
      tpu.wait_dma2 semaphore(%run_scoped3A : memref<!tpu.dma_semaphore, #tpu.memory_space<semaphore_mem>>) src(%dma_wait3A_280 : memref<1024xi32, #tpu.memory_space<hbm>>) dst(%arg5 : memref<1024xi32, #tpu.memory_space<vmem>>)
      tpu.yield
    }) : () -> ()
    %dma_start3A = arith.constant 0 : i32
    %dma_start3A_35 = arith.constant 0 : i32
    %dma_start3A_36 = arith.constant 0 : i32
    %dma_start3A_37 = arith.constant 0 : i32
    %dma_start3A_38 = tpu.memref_slice %arg6[%dma_start3A, %dma_start3A_36, %dma_start3A_37] : memref<3x256x128xf32, #tpu.memory_space<vmem>> -> memref<1x256x128xf32, #tpu.memory_space<vmem>>
    %dma_start3A_39 = tpu.memref_squeeze %dma_start3A_38 : memref<1x256x128xf32, #tpu.memory_space<vmem>> -> memref<256x128xf32, #tpu.memory_space<vmem>>
    %dma_start3A_40 = arith.constant 0 : i32
    %dma_start3A_41 = tpu.memref_slice %arg5[%dma_start3A_40] : memref<1024xi32, #tpu.memory_space<vmem>> -> memref<256xi32, #tpu.memory_space<vmem>>
    %dma_start3A_42 = arith.constant 0 : i32
    %dma_start3A_43 = arith.constant 0 : i32
    %dma_start3A_44 = tpu.memref_slice %arg3[%dma_start3A_42, %dma_start3A_43] : memref<1000000x128xf32, #tpu.memory_space<hbm>> -> memref<1000000x128xf32, #tpu.memory_space<hbm>>
    %dma_start3A_45 = tpu.memref_slice %arg7[%dma_start3A_35] : memref<3x!tpu.dma_semaphore, #tpu.memory_space<semaphore_mem>> -> memref<1x!tpu.dma_semaphore, #tpu.memory_space<semaphore_mem>>
    %dma_start3A_46 = tpu.memref_squeeze %dma_start3A_45 : memref<1x!tpu.dma_semaphore, #tpu.memory_space<semaphore_mem>> -> memref<!tpu.dma_semaphore, #tpu.memory_space<semaphore_mem>>
    tpu.enqueue_indirect_dma source(%dma_start3A_44 : memref<1000000x128xf32, #tpu.memory_space<hbm>>) target(%dma_start3A_39 : memref<256x128xf32, #tpu.memory_space<vmem>>) offsets(%dma_start3A_41 : memref<256xi32, #tpu.memory_space<vmem>>) semaphore(%dma_start3A_46 : memref<!tpu.dma_semaphore, #tpu.memory_space<semaphore_mem>>)
    %dma_start3A_47 = arith.constant 1 : i32
    %dma_start3A_48 = arith.constant 1 : i32
    %dma_start3A_49 = arith.constant 0 : i32
    %dma_start3A_50 = arith.constant 0 : i32
    %dma_start3A_51 = tpu.memref_slice %arg6[%dma_start3A_47, %dma_start3A_49, %dma_start3A_50] : memref<3x256x128xf32, #tpu.memory_space<vmem>> -> memref<1x256x128xf32, #tpu.memory_space<vmem>>
    %dma_start3A_52 = tpu.memref_squeeze %dma_start3A_51 : memref<1x256x128xf32, #tpu.memory_space<vmem>> -> memref<256x128xf32, #tpu.memory_space<vmem>>
    %dma_start3A_53 = arith.constant 256 : i32
    %dma_start3A_54 = tpu.memref_slice %arg5[%dma_start3A_53] : memref<1024xi32, #tpu.memory_space<vmem>> -> memref<256xi32, #tpu.memory_space<vmem>>
    %dma_start3A_55 = arith.constant 0 : i32
    %dma_start3A_56 = arith.constant 0 : i32
    %dma_start3A_57 = tpu.memref_slice %arg3[%dma_start3A_55, %dma_start3A_56] : memref<1000000x128xf32, #tpu.memory_space<hbm>> -> memref<1000000x128xf32, #tpu.memory_space<hbm>>
    %dma_start3A_58 = tpu.memref_slice %arg7[%dma_start3A_48] : memref<3x!tpu.dma_semaphore, #tpu.memory_space<semaphore_mem>> -> memref<1x!tpu.dma_semaphore, #tpu.memory_space<semaphore_mem>>
    %dma_start3A_59 = tpu.memref_squeeze %dma_start3A_58 : memref<1x!tpu.dma_semaphore, #tpu.memory_space<semaphore_mem>> -> memref<!tpu.dma_semaphore, #tpu.memory_space<semaphore_mem>>
    tpu.enqueue_indirect_dma source(%dma_start3A_57 : memref<1000000x128xf32, #tpu.memory_space<hbm>>) target(%dma_start3A_52 : memref<256x128xf32, #tpu.memory_space<vmem>>) offsets(%dma_start3A_54 : memref<256xi32, #tpu.memory_space<vmem>>) semaphore(%dma_start3A_59 : memref<!tpu.dma_semaphore, #tpu.memory_space<semaphore_mem>>)
    %dma_start3A_60 = arith.constant 2 : i32
    %dma_start3A_61 = arith.constant 2 : i32
    %dma_start3A_62 = arith.constant 0 : i32
    %dma_start3A_63 = arith.constant 0 : i32
    %dma_start3A_64 = tpu.memref_slice %arg6[%dma_start3A_60, %dma_start3A_62, %dma_start3A_63] : memref<3x256x128xf32, #tpu.memory_space<vmem>> -> memref<1x256x128xf32, #tpu.memory_space<vmem>>
    %dma_start3A_65 = tpu.memref_squeeze %dma_start3A_64 : memref<1x256x128xf32, #tpu.memory_space<vmem>> -> memref<256x128xf32, #tpu.memory_space<vmem>>
    %dma_start3A_66 = arith.constant 512 : i32
    %dma_start3A_67 = tpu.memref_slice %arg5[%dma_start3A_66] : memref<1024xi32, #tpu.memory_space<vmem>> -> memref<256xi32, #tpu.memory_space<vmem>>
    %dma_start3A_68 = arith.constant 0 : i32
    %dma_start3A_69 = arith.constant 0 : i32
    %dma_start3A_70 = tpu.memref_slice %arg3[%dma_start3A_68, %dma_start3A_69] : memref<1000000x128xf32, #tpu.memory_space<hbm>> -> memref<1000000x128xf32, #tpu.memory_space<hbm>>
    %dma_start3A_71 = tpu.memref_slice %arg7[%dma_start3A_61] : memref<3x!tpu.dma_semaphore, #tpu.memory_space<semaphore_mem>> -> memref<1x!tpu.dma_semaphore, #tpu.memory_space<semaphore_mem>>
    %dma_start3A_72 = tpu.memref_squeeze %dma_start3A_71 : memref<1x!tpu.dma_semaphore, #tpu.memory_space<semaphore_mem>> -> memref<!tpu.dma_semaphore, #tpu.memory_space<semaphore_mem>>
    tpu.enqueue_indirect_dma source(%dma_start3A_70 : memref<1000000x128xf32, #tpu.memory_space<hbm>>) target(%dma_start3A_65 : memref<256x128xf32, #tpu.memory_space<vmem>>) offsets(%dma_start3A_67 : memref<256xi32, #tpu.memory_space<vmem>>) semaphore(%dma_start3A_72 : memref<!tpu.dma_semaphore, #tpu.memory_space<semaphore_mem>>)
    %dma_wait3A = arith.constant 0 : i32
    %dma_wait3A_73 = arith.constant 0 : i32
    %dma_wait3A_74 = arith.constant 0 : i32
    %dma_wait3A_75 = arith.constant 0 : i32
    %dma_wait3A_76 = tpu.memref_slice %arg6[%dma_wait3A, %dma_wait3A_74, %dma_wait3A_75] : memref<3x256x128xf32, #tpu.memory_space<vmem>> -> memref<1x256x128xf32, #tpu.memory_space<vmem>>
    %dma_wait3A_77 = tpu.memref_squeeze %dma_wait3A_76 : memref<1x256x128xf32, #tpu.memory_space<vmem>> -> memref<256x128xf32, #tpu.memory_space<vmem>>
    %dma_wait3A_78 = arith.constant 0 : i32
    %dma_wait3A_79 = tpu.memref_slice %arg5[%dma_wait3A_78] : memref<1024xi32, #tpu.memory_space<vmem>> -> memref<256xi32, #tpu.memory_space<vmem>>
    %dma_wait3A_80 = arith.constant 0 : i32
    %dma_wait3A_81 = arith.constant 0 : i32
    %dma_wait3A_82 = tpu.memref_slice %arg3[%dma_wait3A_80, %dma_wait3A_81] : memref<1000000x128xf32, #tpu.memory_space<hbm>> -> memref<1000000x128xf32, #tpu.memory_space<hbm>>
    %dma_wait3A_83 = tpu.memref_slice %arg7[%dma_wait3A_73] : memref<3x!tpu.dma_semaphore, #tpu.memory_space<semaphore_mem>> -> memref<1x!tpu.dma_semaphore, #tpu.memory_space<semaphore_mem>>
    %dma_wait3A_84 = tpu.memref_squeeze %dma_wait3A_83 : memref<1x!tpu.dma_semaphore, #tpu.memory_space<semaphore_mem>> -> memref<!tpu.dma_semaphore, #tpu.memory_space<semaphore_mem>>
    tpu.wait_indirect_dma semaphore(%dma_wait3A_84 : memref<!tpu.dma_semaphore, #tpu.memory_space<semaphore_mem>>) src(%dma_wait3A_82 : memref<1000000x128xf32, #tpu.memory_space<hbm>>) dst(%dma_wait3A_77 : memref<256x128xf32, #tpu.memory_space<vmem>>)
    %add3A_85 = arith.constant 0 : i32
    %add3A_86 = arith.addi %mul3A_2, %add3A_85 : i32
    %dma_start3A_87 = arith.constant 0 : i32
    %dma_start3A_88 = arith.constant 0 : i32
    %dma_start3A_89 = arith.constant 0 : i32
    %dma_start3A_90 = arith.constant 0 : i32
    %dma_start3A_91 = tpu.memref_slice %arg6[%dma_start3A_87, %dma_start3A_89, %dma_start3A_90] : memref<3x256x128xf32, #tpu.memory_space<vmem>> -> memref<1x256x128xf32, #tpu.memory_space<vmem>>
    %dma_start3A_92 = tpu.memref_squeeze %dma_start3A_91 : memref<1x256x128xf32, #tpu.memory_space<vmem>> -> memref<256x128xf32, #tpu.memory_space<vmem>>
    %dma_start3A_93 = arith.constant 0 : i32
    %dma_start3A_94 = tpu.memref_slice %arg4[%add3A_86, %dma_start3A_93] : memref<32768x128xf32, #tpu.memory_space<hbm>> -> memref<256x128xf32, #tpu.memory_space<hbm>>
    %dma_start3A_95 = tpu.memref_slice %arg8[%dma_start3A_88] : memref<3x!tpu.dma_semaphore, #tpu.memory_space<semaphore_mem>> -> memref<1x!tpu.dma_semaphore, #tpu.memory_space<semaphore_mem>>
    %dma_start3A_96 = tpu.memref_squeeze %dma_start3A_95 : memref<1x!tpu.dma_semaphore, #tpu.memory_space<semaphore_mem>> -> memref<!tpu.dma_semaphore, #tpu.memory_space<semaphore_mem>>
    %dma_start3A_97 = arith.constant 0 : i32
    %dma_start3A_98 = tpu.memref_slice %arg4[%add3A_86, %dma_start3A_97] : memref<32768x128xf32, #tpu.memory_space<hbm>> -> memref<256x128xf32, #tpu.memory_space<hbm>>
    %dma_start3A_99 = arith.constant 0 : i32
    %dma_start3A_100 = arith.constant 0 : i32
    %dma_start3A_101 = tpu.memref_slice %arg6[%dma_start3A_87, %dma_start3A_99, %dma_start3A_100] : memref<3x256x128xf32, #tpu.memory_space<vmem>> -> memref<1x256x128xf32, #tpu.memory_space<vmem>>
    %dma_start3A_102 = tpu.memref_squeeze %dma_start3A_101 : memref<1x256x128xf32, #tpu.memory_space<vmem>> -> memref<256x128xf32, #tpu.memory_space<vmem>>
    tpu.enqueue_dma source(%dma_start3A_102 : memref<256x128xf32, #tpu.memory_space<vmem>>) target(%dma_start3A_98 : memref<256x128xf32, #tpu.memory_space<hbm>>) target_semaphore(%dma_start3A_96 : memref<!tpu.dma_semaphore, #tpu.memory_space<semaphore_mem>>)
    %dma_wait3A_103 = arith.constant 0 : i32
    %dma_wait3A_104 = arith.constant 0 : i32
    %dma_wait3A_105 = arith.constant 0 : i32
    %dma_wait3A_106 = arith.constant 0 : i32
    %dma_wait3A_107 = tpu.memref_slice %arg6[%dma_wait3A_103, %dma_wait3A_105, %dma_wait3A_106] : memref<3x256x128xf32, #tpu.memory_space<vmem>> -> memref<1x256x128xf32, #tpu.memory_space<vmem>>
    %dma_wait3A_108 = tpu.memref_squeeze %dma_wait3A_107 : memref<1x256x128xf32, #tpu.memory_space<vmem>> -> memref<256x128xf32, #tpu.memory_space<vmem>>
    %dma_wait3A_109 = arith.constant 0 : i32
    %dma_wait3A_110 = tpu.memref_slice %arg4[%add3A_86, %dma_wait3A_109] : memref<32768x128xf32, #tpu.memory_space<hbm>> -> memref<256x128xf32, #tpu.memory_space<hbm>>
    %dma_wait3A_111 = tpu.memref_slice %arg8[%dma_wait3A_104] : memref<3x!tpu.dma_semaphore, #tpu.memory_space<semaphore_mem>> -> memref<1x!tpu.dma_semaphore, #tpu.memory_space<semaphore_mem>>
    %dma_wait3A_112 = tpu.memref_squeeze %dma_wait3A_111 : memref<1x!tpu.dma_semaphore, #tpu.memory_space<semaphore_mem>> -> memref<!tpu.dma_semaphore, #tpu.memory_space<semaphore_mem>>
    %dma_wait3A_113 = arith.constant 0 : i32
    %dma_wait3A_114 = tpu.memref_slice %arg4[%add3A_86, %dma_wait3A_113] : memref<32768x128xf32, #tpu.memory_space<hbm>> -> memref<256x128xf32, #tpu.memory_space<hbm>>
    %dma_wait3A_115 = arith.constant 0 : i32
    %dma_wait3A_116 = arith.constant 0 : i32
    %dma_wait3A_117 = tpu.memref_slice %arg6[%dma_wait3A_103, %dma_wait3A_115, %dma_wait3A_116] : memref<3x256x128xf32, #tpu.memory_space<vmem>> -> memref<1x256x128xf32, #tpu.memory_space<vmem>>
    %dma_wait3A_118 = tpu.memref_squeeze %dma_wait3A_117 : memref<1x256x128xf32, #tpu.memory_space<vmem>> -> memref<256x128xf32, #tpu.memory_space<vmem>>
    tpu.wait_dma2 semaphore(%dma_wait3A_112 : memref<!tpu.dma_semaphore, #tpu.memory_space<semaphore_mem>>) src(%dma_wait3A_118 : memref<256x128xf32, #tpu.memory_space<vmem>>) dst(%dma_wait3A_114 : memref<256x128xf32, #tpu.memory_space<hbm>>)
    %dma_start3A_119 = arith.constant 0 : i32
    %dma_start3A_120 = arith.constant 0 : i32
    %dma_start3A_121 = arith.constant 0 : i32
    %dma_start3A_122 = arith.constant 0 : i32
    %dma_start3A_123 = tpu.memref_slice %arg6[%dma_start3A_119, %dma_start3A_121, %dma_start3A_122] : memref<3x256x128xf32, #tpu.memory_space<vmem>> -> memref<1x256x128xf32, #tpu.memory_space<vmem>>
    %dma_start3A_124 = tpu.memref_squeeze %dma_start3A_123 : memref<1x256x128xf32, #tpu.memory_space<vmem>> -> memref<256x128xf32, #tpu.memory_space<vmem>>
    %dma_start3A_125 = arith.constant 768 : i32
    %dma_start3A_126 = tpu.memref_slice %arg5[%dma_start3A_125] : memref<1024xi32, #tpu.memory_space<vmem>> -> memref<256xi32, #tpu.memory_space<vmem>>
    %dma_start3A_127 = arith.constant 0 : i32
    %dma_start3A_128 = arith.constant 0 : i32
    %dma_start3A_129 = tpu.memref_slice %arg3[%dma_start3A_127, %dma_start3A_128] : memref<1000000x128xf32, #tpu.memory_space<hbm>> -> memref<1000000x128xf32, #tpu.memory_space<hbm>>
    %dma_start3A_130 = tpu.memref_slice %arg7[%dma_start3A_120] : memref<3x!tpu.dma_semaphore, #tpu.memory_space<semaphore_mem>> -> memref<1x!tpu.dma_semaphore, #tpu.memory_space<semaphore_mem>>
    %dma_start3A_131 = tpu.memref_squeeze %dma_start3A_130 : memref<1x!tpu.dma_semaphore, #tpu.memory_space<semaphore_mem>> -> memref<!tpu.dma_semaphore, #tpu.memory_space<semaphore_mem>>
    tpu.enqueue_indirect_dma source(%dma_start3A_129 : memref<1000000x128xf32, #tpu.memory_space<hbm>>) target(%dma_start3A_124 : memref<256x128xf32, #tpu.memory_space<vmem>>) offsets(%dma_start3A_126 : memref<256xi32, #tpu.memory_space<vmem>>) semaphore(%dma_start3A_131 : memref<!tpu.dma_semaphore, #tpu.memory_space<semaphore_mem>>)
    %dma_wait3A_132 = arith.constant 1 : i32
    %dma_wait3A_133 = arith.constant 1 : i32
    %dma_wait3A_134 = arith.constant 0 : i32
    %dma_wait3A_135 = arith.constant 0 : i32
    %dma_wait3A_136 = tpu.memref_slice %arg6[%dma_wait3A_132, %dma_wait3A_134, %dma_wait3A_135] : memref<3x256x128xf32, #tpu.memory_space<vmem>> -> memref<1x256x128xf32, #tpu.memory_space<vmem>>
    %dma_wait3A_137 = tpu.memref_squeeze %dma_wait3A_136 : memref<1x256x128xf32, #tpu.memory_space<vmem>> -> memref<256x128xf32, #tpu.memory_space<vmem>>
    %dma_wait3A_138 = arith.constant 256 : i32
    %dma_wait3A_139 = tpu.memref_slice %arg5[%dma_wait3A_138] : memref<1024xi32, #tpu.memory_space<vmem>> -> memref<256xi32, #tpu.memory_space<vmem>>
    %dma_wait3A_140 = arith.constant 0 : i32
    %dma_wait3A_141 = arith.constant 0 : i32
    %dma_wait3A_142 = tpu.memref_slice %arg3[%dma_wait3A_140, %dma_wait3A_141] : memref<1000000x128xf32, #tpu.memory_space<hbm>> -> memref<1000000x128xf32, #tpu.memory_space<hbm>>
    %dma_wait3A_143 = tpu.memref_slice %arg7[%dma_wait3A_133] : memref<3x!tpu.dma_semaphore, #tpu.memory_space<semaphore_mem>> -> memref<1x!tpu.dma_semaphore, #tpu.memory_space<semaphore_mem>>
    %dma_wait3A_144 = tpu.memref_squeeze %dma_wait3A_143 : memref<1x!tpu.dma_semaphore, #tpu.memory_space<semaphore_mem>> -> memref<!tpu.dma_semaphore, #tpu.memory_space<semaphore_mem>>
    tpu.wait_indirect_dma semaphore(%dma_wait3A_144 : memref<!tpu.dma_semaphore, #tpu.memory_space<semaphore_mem>>) src(%dma_wait3A_142 : memref<1000000x128xf32, #tpu.memory_space<hbm>>) dst(%dma_wait3A_137 : memref<256x128xf32, #tpu.memory_space<vmem>>)
    %add3A_145 = arith.constant 256 : i32
    %add3A_146 = arith.addi %mul3A_2, %add3A_145 : i32
    %dma_start3A_147 = arith.constant 1 : i32
    %dma_start3A_148 = arith.constant 1 : i32
    %dma_start3A_149 = arith.constant 0 : i32
    %dma_start3A_150 = arith.constant 0 : i32
    %dma_start3A_151 = tpu.memref_slice %arg6[%dma_start3A_147, %dma_start3A_149, %dma_start3A_150] : memref<3x256x128xf32, #tpu.memory_space<vmem>> -> memref<1x256x128xf32, #tpu.memory_space<vmem>>
    %dma_start3A_152 = tpu.memref_squeeze %dma_start3A_151 : memref<1x256x128xf32, #tpu.memory_space<vmem>> -> memref<256x128xf32, #tpu.memory_space<vmem>>
    %dma_start3A_153 = arith.constant 0 : i32
    %dma_start3A_154 = tpu.memref_slice %arg4[%add3A_146, %dma_start3A_153] : memref<32768x128xf32, #tpu.memory_space<hbm>> -> memref<256x128xf32, #tpu.memory_space<hbm>>
    %dma_start3A_155 = tpu.memref_slice %arg8[%dma_start3A_148] : memref<3x!tpu.dma_semaphore, #tpu.memory_space<semaphore_mem>> -> memref<1x!tpu.dma_semaphore, #tpu.memory_space<semaphore_mem>>
    %dma_start3A_156 = tpu.memref_squeeze %dma_start3A_155 : memref<1x!tpu.dma_semaphore, #tpu.memory_space<semaphore_mem>> -> memref<!tpu.dma_semaphore, #tpu.memory_space<semaphore_mem>>
    %dma_start3A_157 = arith.constant 0 : i32
    %dma_start3A_158 = tpu.memref_slice %arg4[%add3A_146, %dma_start3A_157] : memref<32768x128xf32, #tpu.memory_space<hbm>> -> memref<256x128xf32, #tpu.memory_space<hbm>>
    %dma_start3A_159 = arith.constant 0 : i32
    %dma_start3A_160 = arith.constant 0 : i32
    %dma_start3A_161 = tpu.memref_slice %arg6[%dma_start3A_147, %dma_start3A_159, %dma_start3A_160] : memref<3x256x128xf32, #tpu.memory_space<vmem>> -> memref<1x256x128xf32, #tpu.memory_space<vmem>>
    %dma_start3A_162 = tpu.memref_squeeze %dma_start3A_161 : memref<1x256x128xf32, #tpu.memory_space<vmem>> -> memref<256x128xf32, #tpu.memory_space<vmem>>
    tpu.enqueue_dma source(%dma_start3A_162 : memref<256x128xf32, #tpu.memory_space<vmem>>) target(%dma_start3A_158 : memref<256x128xf32, #tpu.memory_space<hbm>>) target_semaphore(%dma_start3A_156 : memref<!tpu.dma_semaphore, #tpu.memory_space<semaphore_mem>>)
    %dma_wait3A_163 = arith.constant 2 : i32
    %dma_wait3A_164 = arith.constant 2 : i32
    %dma_wait3A_165 = arith.constant 0 : i32
    %dma_wait3A_166 = arith.constant 0 : i32
    %dma_wait3A_167 = tpu.memref_slice %arg6[%dma_wait3A_163, %dma_wait3A_165, %dma_wait3A_166] : memref<3x256x128xf32, #tpu.memory_space<vmem>> -> memref<1x256x128xf32, #tpu.memory_space<vmem>>
    %dma_wait3A_168 = tpu.memref_squeeze %dma_wait3A_167 : memref<1x256x128xf32, #tpu.memory_space<vmem>> -> memref<256x128xf32, #tpu.memory_space<vmem>>
    %dma_wait3A_169 = arith.constant 512 : i32
    %dma_wait3A_170 = tpu.memref_slice %arg5[%dma_wait3A_169] : memref<1024xi32, #tpu.memory_space<vmem>> -> memref<256xi32, #tpu.memory_space<vmem>>
    %dma_wait3A_171 = arith.constant 0 : i32
    %dma_wait3A_172 = arith.constant 0 : i32
    %dma_wait3A_173 = tpu.memref_slice %arg3[%dma_wait3A_171, %dma_wait3A_172] : memref<1000000x128xf32, #tpu.memory_space<hbm>> -> memref<1000000x128xf32, #tpu.memory_space<hbm>>
    %dma_wait3A_174 = tpu.memref_slice %arg7[%dma_wait3A_164] : memref<3x!tpu.dma_semaphore, #tpu.memory_space<semaphore_mem>> -> memref<1x!tpu.dma_semaphore, #tpu.memory_space<semaphore_mem>>
    %dma_wait3A_175 = tpu.memref_squeeze %dma_wait3A_174 : memref<1x!tpu.dma_semaphore, #tpu.memory_space<semaphore_mem>> -> memref<!tpu.dma_semaphore, #tpu.memory_space<semaphore_mem>>
    tpu.wait_indirect_dma semaphore(%dma_wait3A_175 : memref<!tpu.dma_semaphore, #tpu.memory_space<semaphore_mem>>) src(%dma_wait3A_173 : memref<1000000x128xf32, #tpu.memory_space<hbm>>) dst(%dma_wait3A_168 : memref<256x128xf32, #tpu.memory_space<vmem>>)
    %add3A_176 = arith.constant 512 : i32
    %add3A_177 = arith.addi %mul3A_2, %add3A_176 : i32
    %dma_start3A_178 = arith.constant 2 : i32
    %dma_start3A_179 = arith.constant 2 : i32
    %dma_start3A_180 = arith.constant 0 : i32
    %dma_start3A_181 = arith.constant 0 : i32
    %dma_start3A_182 = tpu.memref_slice %arg6[%dma_start3A_178, %dma_start3A_180, %dma_start3A_181] : memref<3x256x128xf32, #tpu.memory_space<vmem>> -> memref<1x256x128xf32, #tpu.memory_space<vmem>>
    %dma_start3A_183 = tpu.memref_squeeze %dma_start3A_182 : memref<1x256x128xf32, #tpu.memory_space<vmem>> -> memref<256x128xf32, #tpu.memory_space<vmem>>
    %dma_start3A_184 = arith.constant 0 : i32
    %dma_start3A_185 = tpu.memref_slice %arg4[%add3A_177, %dma_start3A_184] : memref<32768x128xf32, #tpu.memory_space<hbm>> -> memref<256x128xf32, #tpu.memory_space<hbm>>
    %dma_start3A_186 = tpu.memref_slice %arg8[%dma_start3A_179] : memref<3x!tpu.dma_semaphore, #tpu.memory_space<semaphore_mem>> -> memref<1x!tpu.dma_semaphore, #tpu.memory_space<semaphore_mem>>
    %dma_start3A_187 = tpu.memref_squeeze %dma_start3A_186 : memref<1x!tpu.dma_semaphore, #tpu.memory_space<semaphore_mem>> -> memref<!tpu.dma_semaphore, #tpu.memory_space<semaphore_mem>>
    %dma_start3A_188 = arith.constant 0 : i32
    %dma_start3A_189 = tpu.memref_slice %arg4[%add3A_177, %dma_start3A_188] : memref<32768x128xf32, #tpu.memory_space<hbm>> -> memref<256x128xf32, #tpu.memory_space<hbm>>
    %dma_start3A_190 = arith.constant 0 : i32
    %dma_start3A_191 = arith.constant 0 : i32
    %dma_start3A_192 = tpu.memref_slice %arg6[%dma_start3A_178, %dma_start3A_190, %dma_start3A_191] : memref<3x256x128xf32, #tpu.memory_space<vmem>> -> memref<1x256x128xf32, #tpu.memory_space<vmem>>
    %dma_start3A_193 = tpu.memref_squeeze %dma_start3A_192 : memref<1x256x128xf32, #tpu.memory_space<vmem>> -> memref<256x128xf32, #tpu.memory_space<vmem>>
    tpu.enqueue_dma source(%dma_start3A_193 : memref<256x128xf32, #tpu.memory_space<vmem>>) target(%dma_start3A_189 : memref<256x128xf32, #tpu.memory_space<hbm>>) target_semaphore(%dma_start3A_187 : memref<!tpu.dma_semaphore, #tpu.memory_space<semaphore_mem>>)
    %dma_wait3A_194 = arith.constant 0 : i32
    %dma_wait3A_195 = arith.constant 0 : i32
    %dma_wait3A_196 = arith.constant 0 : i32
    %dma_wait3A_197 = arith.constant 0 : i32
    %dma_wait3A_198 = tpu.memref_slice %arg6[%dma_wait3A_194, %dma_wait3A_196, %dma_wait3A_197] : memref<3x256x128xf32, #tpu.memory_space<vmem>> -> memref<1x256x128xf32, #tpu.memory_space<vmem>>
    %dma_wait3A_199 = tpu.memref_squeeze %dma_wait3A_198 : memref<1x256x128xf32, #tpu.memory_space<vmem>> -> memref<256x128xf32, #tpu.memory_space<vmem>>
    %dma_wait3A_200 = arith.constant 768 : i32
    %dma_wait3A_201 = tpu.memref_slice %arg5[%dma_wait3A_200] : memref<1024xi32, #tpu.memory_space<vmem>> -> memref<256xi32, #tpu.memory_space<vmem>>
    %dma_wait3A_202 = arith.constant 0 : i32
    %dma_wait3A_203 = arith.constant 0 : i32
    %dma_wait3A_204 = tpu.memref_slice %arg3[%dma_wait3A_202, %dma_wait3A_203] : memref<1000000x128xf32, #tpu.memory_space<hbm>> -> memref<1000000x128xf32, #tpu.memory_space<hbm>>
    %dma_wait3A_205 = tpu.memref_slice %arg7[%dma_wait3A_195] : memref<3x!tpu.dma_semaphore, #tpu.memory_space<semaphore_mem>> -> memref<1x!tpu.dma_semaphore, #tpu.memory_space<semaphore_mem>>
    %dma_wait3A_206 = tpu.memref_squeeze %dma_wait3A_205 : memref<1x!tpu.dma_semaphore, #tpu.memory_space<semaphore_mem>> -> memref<!tpu.dma_semaphore, #tpu.memory_space<semaphore_mem>>
    tpu.wait_indirect_dma semaphore(%dma_wait3A_206 : memref<!tpu.dma_semaphore, #tpu.memory_space<semaphore_mem>>) src(%dma_wait3A_204 : memref<1000000x128xf32, #tpu.memory_space<hbm>>) dst(%dma_wait3A_199 : memref<256x128xf32, #tpu.memory_space<vmem>>)
    %add3A_207 = arith.constant 768 : i32
    %add3A_208 = arith.addi %mul3A_2, %add3A_207 : i32
    %dma_start3A_209 = arith.constant 0 : i32
    %dma_start3A_210 = arith.constant 0 : i32
    %dma_start3A_211 = arith.constant 0 : i32
    %dma_start3A_212 = arith.constant 0 : i32
    %dma_start3A_213 = tpu.memref_slice %arg6[%dma_start3A_209, %dma_start3A_211, %dma_start3A_212] : memref<3x256x128xf32, #tpu.memory_space<vmem>> -> memref<1x256x128xf32, #tpu.memory_space<vmem>>
    %dma_start3A_214 = tpu.memref_squeeze %dma_start3A_213 : memref<1x256x128xf32, #tpu.memory_space<vmem>> -> memref<256x128xf32, #tpu.memory_space<vmem>>
    %dma_start3A_215 = arith.constant 0 : i32
    %dma_start3A_216 = tpu.memref_slice %arg4[%add3A_208, %dma_start3A_215] : memref<32768x128xf32, #tpu.memory_space<hbm>> -> memref<256x128xf32, #tpu.memory_space<hbm>>
    %dma_start3A_217 = tpu.memref_slice %arg8[%dma_start3A_210] : memref<3x!tpu.dma_semaphore, #tpu.memory_space<semaphore_mem>> -> memref<1x!tpu.dma_semaphore, #tpu.memory_space<semaphore_mem>>
    %dma_start3A_218 = tpu.memref_squeeze %dma_start3A_217 : memref<1x!tpu.dma_semaphore, #tpu.memory_space<semaphore_mem>> -> memref<!tpu.dma_semaphore, #tpu.memory_space<semaphore_mem>>
    %dma_start3A_219 = arith.constant 0 : i32
    %dma_start3A_220 = tpu.memref_slice %arg4[%add3A_208, %dma_start3A_219] : memref<32768x128xf32, #tpu.memory_space<hbm>> -> memref<256x128xf32, #tpu.memory_space<hbm>>
    %dma_start3A_221 = arith.constant 0 : i32
    %dma_start3A_222 = arith.constant 0 : i32
    %dma_start3A_223 = tpu.memref_slice %arg6[%dma_start3A_209, %dma_start3A_221, %dma_start3A_222] : memref<3x256x128xf32, #tpu.memory_space<vmem>> -> memref<1x256x128xf32, #tpu.memory_space<vmem>>
    %dma_start3A_224 = tpu.memref_squeeze %dma_start3A_223 : memref<1x256x128xf32, #tpu.memory_space<vmem>> -> memref<256x128xf32, #tpu.memory_space<vmem>>
    tpu.enqueue_dma source(%dma_start3A_224 : memref<256x128xf32, #tpu.memory_space<vmem>>) target(%dma_start3A_220 : memref<256x128xf32, #tpu.memory_space<hbm>>) target_semaphore(%dma_start3A_218 : memref<!tpu.dma_semaphore, #tpu.memory_space<semaphore_mem>>)
    %dma_wait3A_225 = arith.constant 1 : i32
    %dma_wait3A_226 = arith.constant 1 : i32
    %dma_wait3A_227 = arith.constant 0 : i32
    %dma_wait3A_228 = arith.constant 0 : i32
    %dma_wait3A_229 = tpu.memref_slice %arg6[%dma_wait3A_225, %dma_wait3A_227, %dma_wait3A_228] : memref<3x256x128xf32, #tpu.memory_space<vmem>> -> memref<1x256x128xf32, #tpu.memory_space<vmem>>
    %dma_wait3A_230 = tpu.memref_squeeze %dma_wait3A_229 : memref<1x256x128xf32, #tpu.memory_space<vmem>> -> memref<256x128xf32, #tpu.memory_space<vmem>>
    %dma_wait3A_231 = arith.constant 0 : i32
    %dma_wait3A_232 = tpu.memref_slice %arg4[%add3A_146, %dma_wait3A_231] : memref<32768x128xf32, #tpu.memory_space<hbm>> -> memref<256x128xf32, #tpu.memory_space<hbm>>
    %dma_wait3A_233 = tpu.memref_slice %arg8[%dma_wait3A_226] : memref<3x!tpu.dma_semaphore, #tpu.memory_space<semaphore_mem>> -> memref<1x!tpu.dma_semaphore, #tpu.memory_space<semaphore_mem>>
    %dma_wait3A_234 = tpu.memref_squeeze %dma_wait3A_233 : memref<1x!tpu.dma_semaphore, #tpu.memory_space<semaphore_mem>> -> memref<!tpu.dma_semaphore, #tpu.memory_space<semaphore_mem>>
    %dma_wait3A_235 = arith.constant 0 : i32
    %dma_wait3A_236 = tpu.memref_slice %arg4[%add3A_146, %dma_wait3A_235] : memref<32768x128xf32, #tpu.memory_space<hbm>> -> memref<256x128xf32, #tpu.memory_space<hbm>>
    %dma_wait3A_237 = arith.constant 0 : i32
    %dma_wait3A_238 = arith.constant 0 : i32
    %dma_wait3A_239 = tpu.memref_slice %arg6[%dma_wait3A_225, %dma_wait3A_237, %dma_wait3A_238] : memref<3x256x128xf32, #tpu.memory_space<vmem>> -> memref<1x256x128xf32, #tpu.memory_space<vmem>>
    %dma_wait3A_240 = tpu.memref_squeeze %dma_wait3A_239 : memref<1x256x128xf32, #tpu.memory_space<vmem>> -> memref<256x128xf32, #tpu.memory_space<vmem>>
    tpu.wait_dma2 semaphore(%dma_wait3A_234 : memref<!tpu.dma_semaphore, #tpu.memory_space<semaphore_mem>>) src(%dma_wait3A_240 : memref<256x128xf32, #tpu.memory_space<vmem>>) dst(%dma_wait3A_236 : memref<256x128xf32, #tpu.memory_space<hbm>>)
    %dma_wait3A_241 = arith.constant 2 : i32
    %dma_wait3A_242 = arith.constant 2 : i32
    %dma_wait3A_243 = arith.constant 0 : i32
    %dma_wait3A_244 = arith.constant 0 : i32
    %dma_wait3A_245 = tpu.memref_slice %arg6[%dma_wait3A_241, %dma_wait3A_243, %dma_wait3A_244] : memref<3x256x128xf32, #tpu.memory_space<vmem>> -> memref<1x256x128xf32, #tpu.memory_space<vmem>>
    %dma_wait3A_246 = tpu.memref_squeeze %dma_wait3A_245 : memref<1x256x128xf32, #tpu.memory_space<vmem>> -> memref<256x128xf32, #tpu.memory_space<vmem>>
    %dma_wait3A_247 = arith.constant 0 : i32
    %dma_wait3A_248 = tpu.memref_slice %arg4[%add3A_177, %dma_wait3A_247] : memref<32768x128xf32, #tpu.memory_space<hbm>> -> memref<256x128xf32, #tpu.memory_space<hbm>>
    %dma_wait3A_249 = tpu.memref_slice %arg8[%dma_wait3A_242] : memref<3x!tpu.dma_semaphore, #tpu.memory_space<semaphore_mem>> -> memref<1x!tpu.dma_semaphore, #tpu.memory_space<semaphore_mem>>
    %dma_wait3A_250 = tpu.memref_squeeze %dma_wait3A_249 : memref<1x!tpu.dma_semaphore, #tpu.memory_space<semaphore_mem>> -> memref<!tpu.dma_semaphore, #tpu.memory_space<semaphore_mem>>
    %dma_wait3A_251 = arith.constant 0 : i32
    %dma_wait3A_252 = tpu.memref_slice %arg4[%add3A_177, %dma_wait3A_251] : memref<32768x128xf32, #tpu.memory_space<hbm>> -> memref<256x128xf32, #tpu.memory_space<hbm>>
    %dma_wait3A_253 = arith.constant 0 : i32
    %dma_wait3A_254 = arith.constant 0 : i32
    %dma_wait3A_255 = tpu.memref_slice %arg6[%dma_wait3A_241, %dma_wait3A_253, %dma_wait3A_254] : memref<3x256x128xf32, #tpu.memory_space<vmem>> -> memref<1x256x128xf32, #tpu.memory_space<vmem>>
    %dma_wait3A_256 = tpu.memref_squeeze %dma_wait3A_255 : memref<1x256x128xf32, #tpu.memory_space<vmem>> -> memref<256x128xf32, #tpu.memory_space<vmem>>
    tpu.wait_dma2 semaphore(%dma_wait3A_250 : memref<!tpu.dma_semaphore, #tpu.memory_space<semaphore_mem>>) src(%dma_wait3A_256 : memref<256x128xf32, #tpu.memory_space<vmem>>) dst(%dma_wait3A_252 : memref<256x128xf32, #tpu.memory_space<hbm>>)
    %dma_wait3A_257 = arith.constant 0 : i32
    %dma_wait3A_258 = arith.constant 0 : i32
    %dma_wait3A_259 = arith.constant 0 : i32
    %dma_wait3A_260 = arith.constant 0 : i32
    %dma_wait3A_261 = tpu.memref_slice %arg6[%dma_wait3A_257, %dma_wait3A_259, %dma_wait3A_260] : memref<3x256x128xf32, #tpu.memory_space<vmem>> -> memref<1x256x128xf32, #tpu.memory_space<vmem>>
    %dma_wait3A_262 = tpu.memref_squeeze %dma_wait3A_261 : memref<1x256x128xf32, #tpu.memory_space<vmem>> -> memref<256x128xf32, #tpu.memory_space<vmem>>
    %dma_wait3A_263 = arith.constant 0 : i32
    %dma_wait3A_264 = tpu.memref_slice %arg4[%add3A_208, %dma_wait3A_263] : memref<32768x128xf32, #tpu.memory_space<hbm>> -> memref<256x128xf32, #tpu.memory_space<hbm>>
    %dma_wait3A_265 = tpu.memref_slice %arg8[%dma_wait3A_258] : memref<3x!tpu.dma_semaphore, #tpu.memory_space<semaphore_mem>> -> memref<1x!tpu.dma_semaphore, #tpu.memory_space<semaphore_mem>>
    %dma_wait3A_266 = tpu.memref_squeeze %dma_wait3A_265 : memref<1x!tpu.dma_semaphore, #tpu.memory_space<semaphore_mem>> -> memref<!tpu.dma_semaphore, #tpu.memory_space<semaphore_mem>>
    %dma_wait3A_267 = arith.constant 0 : i32
    %dma_wait3A_268 = tpu.memref_slice %arg4[%add3A_208, %dma_wait3A_267] : memref<32768x128xf32, #tpu.memory_space<hbm>> -> memref<256x128xf32, #tpu.memory_space<hbm>>
    %dma_wait3A_269 = arith.constant 0 : i32
    %dma_wait3A_270 = arith.constant 0 : i32
    %dma_wait3A_271 = tpu.memref_slice %arg6[%dma_wait3A_257, %dma_wait3A_269, %dma_wait3A_270] : memref<3x256x128xf32, #tpu.memory_space<vmem>> -> memref<1x256x128xf32, #tpu.memory_space<vmem>>
    %dma_wait3A_272 = tpu.memref_squeeze %dma_wait3A_271 : memref<1x256x128xf32, #tpu.memory_space<vmem>> -> memref<256x128xf32, #tpu.memory_space<vmem>>
    tpu.wait_dma2 semaphore(%dma_wait3A_266 : memref<!tpu.dma_semaphore, #tpu.memory_space<semaphore_mem>>) src(%dma_wait3A_272 : memref<256x128xf32, #tpu.memory_space<vmem>>) dst(%dma_wait3A_268 : memref<256x128xf32, #tpu.memory_space<hbm>>)
    return
  }
}

</mosaic_0001>

<sc_bundles>
// kernel: _embed.3.cloned.1.call-start
scs
__scs_entry_jumppad:
0x0: {  	(pc) =	sbr.rel $0x88, $3  }
0x1: {  	(tag) =	ssettag $0x0;
	lr =	simm.s32 $0x1  }
0x2: {  	[smem:$0x3F9F] =	sst lr;
	_ =	strace $0xD0000000  }
0x3: {  	_ = 	snop  }
0x4: {  	_ = 	snop  }
0x5: {  	_ = 	snop  }
0x6: {  	_ = 	snop  }
0x7: {  	_ = 	snop  }
__scs_overlays_trampoline_lowered:
0x8: {  	[smem:$0x3FAE] =	sst s0  }
0x9: {  	[smem:$0x3FAF] =	sst s1  }
0xa: {  	[smem:$0x3FB0] =	sst s2  }
0xb: {  	[smem:$0x3FB1] =	sst s3  }
0xc: {  	[smem:$0x3FB2] =	sst s4  }
0xd: {  	[smem:$0x3FB3] =	sst s5  }
0xe: {  	[smem:$0x3FB4] =	sst s6  }
0xf: {  	[smem:$0x3FB5] =	sst s7  }
0x10: {  	[smem:$0x3FB6] =	sst s8  }
0x11: {  	[smem:$0x3FB7] =	sst s9;
	s0 =	simm.s32 @!p0 $0x0  }
0x12: {  	s1 =	sld [smem:$0x3F9D];
	s0 =	simm.s32 @p0 $0x1  }
0x13: {  	[smem:$0x3FB8] =	sst s0;
	s0 =	simm.s32 @!p1 $0x0  }
0x14: {  	s2 =	sld [smem:$0x3F9C];
	s0 =	simm.s32 @p1 $0x1  }
0x15: {  	[smem:$0x3FB9] =	sst s0;
	s0 =	simm.s32 @!p2 $0x0  }
0x16: {  	s3 =	sld [smem:$0x3FDB];
	s0 =	simm.s32 @p2 $0x1  }
0x17: {  	s4 =	simm.s32 $0x1BF5;
	[smem:$0x3FBB] =	sst s0  }
0x18: {  	s0 =	sld [smem:$0x3F9E];
	_ =	swait.ge [sflag:s4], $0x0  }
0x19: {  	s7 =	sld [smem:$0x3F9F]  }
0x1a: {  	s8 =	sadd.s32 $0xFFFFE003, lr  }
0x1b: {  	s9 =	sadd.s32 $0xFFFFFEF7, lr;
	s5 =	simm.s32 $0xFFFFFFFF;
	p2 =	slt.u32 s8, $0xFFFFF086  }
0x1c: {  	p1 =	slt.u32 s9, $0xF7A;
	s5 =	simm.s32 @!p2 $0x0  }
0x1d: {  	s5 =	simm.s32 @p1 $0x1;
	p0 =	seq.s32 s7, s2  }
0x1e: {  	s7 =	smul.u32 @!p0 $0xF7A, s2;
	p2 =	seq.s32 @!p0 s5, $0x0  }
0x1f: {  	s9 =	smul.u32 $0xF7A, s1;
	s8 =	simm.s32 @!p0 $0x1BF5;
	p2 =	por !p2, p0  }
0x20: {  	[sflag:s8] =	ssyncset.s32 @!p0 $0xFFFFF086;
	s6 =	sadd.s32 @!p0 s3, s7;
	s7 =	simm.s32 @!p0 $0x108  }
0x21: {  	s3 =	sadd.s32 s3, s9;
	s6 =	sadd.s32 @!p0 $0x88, s6;
	s7 =	simm.s32 @p2 $0x1082  }
0x22: {  	[simem:s7], [sflag:s8] =	dma.local @!p0 [hbm:s6], $0xF7A  }
0x23: {  	s9 =	sor.u32 $0xD0000000, s2;
	s6 =	simm.s32 $0x108;
	_ =	swait.ge @!p0 [sflag:s8], $0x0  }
0x24: {  	s3 =	sadd.s32 $0x88, s3;
	s6 =	simm.s32 @!p1 $0x1082;
	[sflag:s4] =	ssyncset.s32 $0xFFFFF086  }
0x25: {  	[simem:s6], [sflag:s4] =	dma.local [hbm:s3], $0xF7A  }
0x26: {  	[smem:$0x3F9F] =	sst s1;
	(tag) =	ssettag s2;
	_ =	strace s9  }
0x27: {  	s1 =	sld [smem:$0x3FAF]  }
0x28: {  	s2 =	sld [smem:$0x3FB0]  }
0x29: {  	s4 =	sld [smem:$0x3FB2]  }
0x2a: {  	p0 =	seq.s32 s5, $0x0;
	s5 =	sld [smem:$0x3FB3]  }
0x2b: {  	s6 =	sld [smem:$0x3FB4]  }
0x2c: {  	s7 =	sld [smem:$0x3FB5]  }
0x2d: {  	s3 =	simm.s32 $0x108;
	s8 =	sld [smem:$0x3FB6]  }
0x2e: {  	s3 =	simm.s32 @!p0 $0x1082;
	s9 =	sld [smem:$0x3FB7]  }
0x2f: {  	lr =	sadd.s32 s0, s3;
	s0 =	sld [smem:$0x3FAE]  }
0x30: {  	s3 =	sld [smem:$0x3FB1]  }
0x31: {  	[smem:$0x3FBA] =	sst s10  }
0x32: {  	s10 =	sld [smem:$0x3FB8];
	_ =	sdelay $0x3  }
0x33: {  	p0 =	seq.s32 s10, $0x1;
	s10 =	sld [smem:$0x3FBA];
	_ =	sdelay $0x3  }
0x34: {  	[smem:$0x3FBA] =	sst s10  }
0x35: {  	s10 =	sld [smem:$0x3FB9];
	_ =	sdelay $0x3  }
0x36: {  	p1 =	seq.s32 s10, $0x1;
	s10 =	sld [smem:$0x3FBA];
	_ =	sdelay $0x3  }
0x37: {  	[smem:$0x3FBA] =	sst s10  }
0x38: {  	s10 =	sld [smem:$0x3FBB]  }
0x39: {  	_ = 	snop;
	(pc) =	sbr.ind lr, $3  }
0x3a: {  	_ = 	snop  }
0x3b: {  	_ = 	snop  }
0x3c: {  	p2 =	seq.s32 s10, $0x1;
	s10 =	sld [smem:$0x3FBA]  }
0x3d: {  	_ =	shalt  }
0x3e: {  	_ =	shalt  }
0x3f: {  	_ =	shalt  }
0x40: {  	_ =	shalt  }
0x41: {  	_ =	shalt  }
0x42: {  	_ =	shalt  }
0x43: {  	_ =	shalt  }
0x44: {  	_ =	shalt  }
0x45: {  	_ =	shalt  }
0x46: {  	_ =	shalt  }
0x47: {  	_ =	shalt  }
0x48: {  	_ =	shalt  }
0x49: {  	_ =	shalt  }
0x4a: {  	_ =	shalt  }
0x4b: {  	_ =	shalt  }
0x4c: {  	_ =	shalt  }
0x4d: {  	_ =	shalt  }
0x4e: {  	_ =	shalt  }
0x4f: {  	_ =	shalt  }
0x50: {  	_ =	shalt  }
0x51: {  	_ =	shalt  }
0x52: {  	_ =	shalt  }
0x53: {  	_ =	shalt  }
0x54: {  	_ =	shalt  }
0x55: {  	_ =	shalt  }
0x56: {  	_ =	shalt  }
0x57: {  	_ =	shalt  }
0x58: {  	_ =	shalt  }
0x59: {  	_ =	shalt  }
0x5a: {  	_ =	shalt  }
0x5b: {  	_ =	shalt  }
0x5c: {  	_ =	shalt  }
0x5d: {  	_ =	shalt  }
0x5e: {  	_ =	shalt  }
0x5f: {  	_ =	shalt  }
0x60: {  	_ =	shalt  }
0x61: {  	_ =	shalt  }
0x62: {  	_ =	shalt  }
0x63: {  	_ =	shalt  }
0x64: {  	_ =	shalt  }
0x65: {  	_ =	shalt  }
0x66: {  	_ =	shalt  }
0x67: {  	_ =	shalt  }
0x68: {  	_ =	shalt  }
0x69: {  	_ =	shalt  }
0x6a: {  	_ =	shalt  }
0x6b: {  	_ =	shalt  }
0x6c: {  	_ =	shalt  }
0x6d: {  	_ =	shalt  }
0x6e: {  	_ =	shalt  }
0x6f: {  	_ =	shalt  }
0x70: {  	_ =	shalt  }
0x71: {  	_ =	shalt  }
0x72: {  	_ =	shalt  }
0x73: {  	_ =	shalt  }
0x74: {  	_ =	shalt  }
0x75: {  	_ =	shalt  }
0x76: {  	_ =	shalt  }
0x77: {  	_ =	shalt  }
0x78: {  	_ =	shalt  }
0x79: {  	_ =	shalt  }
0x7a: {  	_ =	shalt  }
0x7b: {  	_ =	shalt  }
0x7c: {  	_ =	shalt  }
0x7d: {  	_ =	shalt  }
0x7e: {  	_ =	shalt  }
0x7f: {  	_ =	shalt  }
0x80: {  	_ =	shalt  }
0x81: {  	_ =	shalt  }
0x82: {  	_ =	shalt  }
0x83: {  	_ =	shalt  }
0x84: {  	_ =	shalt  }
0x85: {  	_ =	shalt  }
0x86: {  	_ =	shalt  }
0x87: {  	_ =	shalt  }
.Lfunc_end0:
.L_simem_size_0:
called_computation_lowered:
.L_overlay_start_0:
0x88: {  	s2 =	sld [smem:$0x3FD9]  }
0x89: {  	s3 =	sld [smem:$0x3FFE];
	_ =	sdelay $0x1  }
0x8a: {  	s1 =	srdreg.scid  }
0x8b: {  	s0 =	sand.u32 $0x1, s1  }
0x8c: {  	s18 =	sshll.u32 s0, $0xA;
	s2 =	sadd.s32 s3, s2  }
0x8d: {  	s2 =	sadd.s32 s2, s18  }
0x8e: {  	[smem:$0x3FC6] =	sst s2  }
0x8f: {  	_ = 	snop  }
0x90: {  	s2 =	sld [smem:$0x3FC9]  }
0x91: {  	s19 =	sld [smem:$0x3FC8]  }
0x92: {  	s4 =	sld [smem:$0x3FD0];
	(tm) =	ssettm $0x1  }
0x93: {  	s5 =	sld [smem:$0x3FFB];
	_ =	sdelay $0x3  }
0x94: {  	_ =	strace s5  }
0x95: {  	s5 =	sld [smem:$0x3FFC];
	_ =	sdelay $0x3  }
0x96: {  	_ =	strace s5  }
0x97: {  	s5 =	sld [smem:$0x3FFD];
	_ =	sdelay $0x3  }
0x98: {  	_ =	strace s5  }
0x99: {  	_ =	strace $0x8FFFFFFF  }
0x9a: {  	s20 =	sld [smem:$0x3FDB];
	_ =	sdelay $0x1  }
0x9b: {  	s6 =	simm.s32 $_scs_section_size  }
0x9c: {  	s7 =	simm.s32 $_size__tile_overlayer_lowered;
	s8 =	simm.s32 $_tile_overlayer_lowered  }
0x9d: {  	s23 =	simm.s32 $0x1BFF;
	s22 =	sshll.u32 s8, $0x1;
	s5 =	sadd.s32 s6, s20  }
0x9e: {  	s9 =	simm.s32 $0x0;
	s21 =	sshll.u32 s7, $0x1;
	s7 =	sadd.s32 s22, s5  }
0x9f: {  	[timem:s9], [sflag:s23] =	dma.local [hbm:s7], s21  }
0xa0: {  	_ =	swait.ge [sflag:s23], s21  }
0xa1: {  	s6 =	ssub.s32 $0x0, s21;
	[sflag:s23] =	ssyncset.done $0x0  }
0xa2: {  	[sflag:s23] =	ssyncadd.s32 s6;
	_ =	sdelay $0x1  }
0xa3: {  	s24 =	simm.s32 $0x1B8B  }
0xa4: {  	_ =	swait.ge [sflag:s24], $0x1  }
0xa5: {  	[sflag:s24] =	ssyncset.done $0x0  }
0xa6: {  	s25 =	simm.s32 $0x1B8E;
	[sflag:s24] =	ssyncadd.s32 $0xFFFFFFFF  }
0xa7: {  	s26 =	simm.s32 $execute0_lowered;
	[smem:$0x3FD2] =	sst s25  }
0xa8: {  	s6 =	sshll.u32 s26, $0x1;
	_ =	strace $0x80000046;
	[dreg:$0x1] =	wrdreg $0xFFFFFFFF  }
0xa9: {  	s28 =	simm.s32 $_size_execute0_lowered;
	s5 =	sadd.s32 s5, s6;
	[dreg:$0x0] =	wrdreg $0x0  }
0xaa: {  	s6 =	sshll.u32 s28, $0x1;
	[dreg:$0x2] =	wrdreg s5  }
0xab: {  	[dreg:$0x3] =	wrdreg s6  }
0xac: {  	[dreg:$0x4] =	wrdreg $0xC0  }
0xad: {  	_ =	task [dreg:s9], $0x5FFFF  }
0xae: {  	[dreg:$0x1] =	wrdreg $0xFFFFFFFF  }
0xaf: {  	[dreg:$0x0] =	wrdreg $0x60  }
0xb0: {  	[dreg:$0x2] =	wrdreg s2  }
0xb1: {  	[dreg:$0x3] =	wrdreg s19  }
0xb2: {  	[dreg:$0x4] =	wrdreg s4  }
0xb3: {  	[dreg:$0x5] =	wrdreg $0x9  }
0xb4: {  	_ =	task.clear_ibuf [dreg:s9], $0x6FFFF;
	_ =	strace $0x90000046  }
0xb5: {  	s29 =	simm.s32 $0x9;
	_ =	strace $0x80000048  }
0xb6: {  	_ =	swait.ge [sflag:s29], $0x1  }
0xb7: {  	[sflag:s29] =	ssyncadd.s32 $0xFFFFFFFF  }
0xb8: {  	_ =	strace $0x90000048  }
0xb9: {  	_ =	sfence  }
0xba: {  	s30 =	sld [smem:$0x0];
	_ =	sdelay $0x2  }
0xbb: {  	s31 =	sshll.u32 s1, $0xD;
	s1 =	sshrl.u32 s1, $0x2  }
0xbc: {  	s3 =	sand.u32 $0x4000, s31;
	s1 =	sadd.s32 s1, s30  }
0xbd: {  	s0 =	sor.u32 s3, s0;
	s1 =	sshll.u32 s1, $0x11  }
0xbe: {  	s0 =	sor.u32 s1, s0  }
0xbf: {  	s0 =	sadd.s32 $0x8F2B, s0  }
0xc0: {  	[sflag:s0] =	ssyncadd.remote.s32 $0x1  }
0xc1: {  	_ =	sfence.sel $0xFFFF  }
0xc2: {  	[dreg:$0x0] =	wrdreg $0xFFFFFFFF;
	(pc) =	sbr.abs _section_cstart, $3  }
0xc3: {  	[dreg:$0x1] =	wrdreg $0xFFFFFFFF  }
0xc4: {  	_ =	task.clear_ibuf [dreg:s9], $0x2FFFF;
	_ =	strace $0x9FFFFFFF  }
0xc5: {  	(tm) =	ssettm $0x7FFFFFFF  }
tec
execute0_lowered:
.L_overlay_start_1:
0x0: {  	(tag) =	ssettag $0x1  }
0x1: {  	s4 =	rddreg [dreg:$0x0]  }
0x2: {  	s2 =	rddreg [dreg:$0x1];
	s1 =	srdreg.scid  }
0x3: {  	s0 =	stileid.u32;
	s13 =	rddreg [dreg:$0x2];
	s7 =	simm.s32 $0x7  }
0x4: {  	s22 =	sand.u32 $0x1, s1;
	s3 =	sshll.u32 s0, $0x1;
	s1 =	rddreg [dreg:$0x3]  }
0x5: {  	s5 =	sshll.u32 s0, $0x2;
	s14 =	sor.u32 s22, s3;
	s3 =	simm.s32 $0x0  }
0x6: {  	s5 =	sand.u32 $0x30, s5;
	s6 =	sshll.u32 s14, $0x9;
	[smem:$0x7FF] =	sst s3  }
0x7: {  	s4 =	sadd.s32 s4, s5;
	s5 =	simm.s32 $0x80;
	s6 =	sand.u32 $0xE00, s6  }
0x8: {  	_ =	strace $0x80000047;
	s4 =	sadd.s32 s6, s4;
	s6 =	simm.s32 $0x200  }
0x9: {  	[tilespmem:s3], [sflag:$0x7] =	stream.strided.gather [hbm4b:s4+s5], $0x400, s6, s5, $0x38;
	[tilespmem:$0x18400] =	vst v63  }
0xa: {  	_ =	swait.ge [sflag:s7], $0x400  }
0xb: {  	[sflag:s7] =	ssyncset.done $0x0  }
0xc: {  	s8 =	simm.s32 $0x100;
	s9 =	simm.s32 $0x400;
	[sflag:s7] =	ssyncadd.s32 $0xFFFFFC00  }
0xd: {  	[tilespmem:s9], [sflag:$0x1] =	stream.indirect.gather [hbm4b:s2+s8], $0x80, s3, s8, $0xb8;
	[tilespmem:$0x18400] =	vst v63  }
0xe: {  	s10 =	simm.s32 $0x8400  }
0xf: {  	[tilespmem:s10], [sflag:$0x2] =	stream.indirect.gather [hbm4b:s2+s8], $0x80, s8, s8, $0xb8;
	[tilespmem:$0x18400] =	vst v63  }
0x10: {  	s11 =	simm.s32 $0x10400;
	s12 =	simm.s32 $0x1  }
0x11: {  	[tilespmem:s11], [sflag:$0x3] =	stream.indirect.gather [hbm4b:s2+s8], $0x80, s6, s8, $0xb8;
	[tilespmem:$0x18400] =	vst v63  }
0x12: {  	_ =	swait.ge [sflag:s12], $0x8000  }
0x13: {  	s14 =	sshll.u32 s14, $0xE;
	[sflag:s12] =	ssyncset.done $0x0  }
0x14: {  	s14 =	sadd.s32 s13, s14;
	s13 =	simm.s32 $0x4;
	[sflag:s12] =	ssyncadd.s32 $0xFFFF8000  }
0x15: {  	[hbm4b:s14+s3] =	stream.linear.scatter [tilespmem:s9], [sflag:$0x4], $0x8000, $0x38;
	[tilespmem:$0x18400] =	vst v63  }
0x16: {  	_ =	swait.ge [sflag:s13], $0x8000  }
0x17: {  	[sflag:s13] =	ssyncset.done $0x0  }
0x18: {  	s15 =	simm.s32 $0x300;
	s16 =	simm.s32 $0x2;
	[sflag:s13] =	ssyncadd.s32 $0xFFFF8000  }
0x19: {  	[tilespmem:s9], [sflag:$0x1] =	stream.indirect.gather [hbm4b:s2+s8], $0x80, s15, s8, $0xb8;
	[tilespmem:$0x18400] =	vst v63  }
0x1a: {  	_ =	swait.ge [sflag:s16], $0x8000  }
0x1b: {  	[sflag:s16] =	ssyncset.done $0x0  }
0x1c: {  	s18 =	simm.s32 $0x3;
	s17 =	sadd.s32 $0x1000, s14;
	[sflag:s16] =	ssyncadd.s32 $0xFFFF8000  }
0x1d: {  	[hbm4b:s17+s3] =	stream.linear.scatter [tilespmem:s10], [sflag:$0x5], $0x8000, $0x38;
	[tilespmem:$0x18400] =	vst v63  }
0x1e: {  	_ =	swait.ge [sflag:s18], $0x8000  }
0x1f: {  	[sflag:s18] =	ssyncset.done $0x0  }
0x20: {  	s19 =	sadd.s32 $0x2000, s14;
	[sflag:s18] =	ssyncadd.s32 $0xFFFF8000  }
0x21: {  	[hbm4b:s19+s3] =	stream.linear.scatter [tilespmem:s11], [sflag:$0x6], $0x8000, $0x38;
	[tilespmem:$0x18400] =	vst v63  }
0x22: {  	_ =	swait.ge [sflag:s12], $0x8000  }
0x23: {  	s21 =	simm.s32 $0x5;
	s23 =	ssub.s32 $0x2, s22;
	[sflag:s12] =	ssyncset.done $0x0  }
0x24: {  	s24 =	sshrl.u32 s23, $0x1;
	s20 =	sadd.s32 $0x3000, s14;
	[sflag:s12] =	ssyncadd.s32 $0xFFFF8000  }
0x25: {  	[hbm4b:s20+s3] =	stream.linear.scatter [tilespmem:s9], [sflag:$0x4], $0x8000, $0x38;
	[tilespmem:$0x18400] =	vst v63  }
0x26: {  	s23 =	ssub.s32 s23, s24;
	_ =	swait.ge [sflag:s21], $0x8000  }
0x27: {  	s23 =	smax.u32 s23, $0x1;
	[sflag:s21] =	ssyncset.done $0x0  }
0x28: {  	s22 =	simm.s32 $0x6;
	p0 =	sne.s32 s23, $0x1;
	[sflag:s21] =	ssyncadd.s32 $0xFFFF8000  }
.Ltmp0:
0x29: {  	_ =	swait.ge [sflag:s22], $0x8000;
	(pc) =	sbr.rel @!p0 .LBB2_2-.Ltmp0, $4  }
0x2a: {  	[sflag:s22] =	ssyncset.done $0x0  }
0x2b: {  	[sflag:s22] =	ssyncadd.s32 $0xFFFF8000  }
0x2c: {  	_ =	swait.ge [sflag:s13], $0x8000  }
0x2d: {  	s23 =	sadd.s32 $0xFFFFFFFF, s23;
	[sflag:s13] =	ssyncset.done $0x0  }
.LBB2_1:
0x2e: {  	p0 =	sne.s32 s23, $0x1;
	s23 =	sadd.s32 $0xFFFFFFFF, s23;
	[sflag:s13] =	ssyncadd.s32 $0xFFFF8000  }
0x2f: {  	[tilespmem:s3], [sflag:$0x7] =	stream.strided.gather [hbm4b:s4+s5], $0x400, s6, s5, $0x38;
	[tilespmem:$0x18400] =	vst v63  }
0x30: {  	_ =	swait.ge [sflag:s7], $0x400  }
0x31: {  	[sflag:s7] =	ssyncset.done $0x0  }
0x32: {  	[sflag:s7] =	ssyncadd.s32 $0xFFFFFC00  }
0x33: {  	[tilespmem:s9], [sflag:$0x1] =	stream.indirect.gather [hbm4b:s2+s8], $0x80, s3, s8, $0xb8;
	[tilespmem:$0x18400] =	vst v63  }
0x34: {  	_ = 	snop  }
0x35: {  	[tilespmem:s10], [sflag:$0x2] =	stream.indirect.gather [hbm4b:s2+s8], $0x80, s8, s8, $0xb8;
	[tilespmem:$0x18400] =	vst v63  }
0x36: {  	_ = 	snop  }
0x37: {  	[tilespmem:s11], [sflag:$0x3] =	stream.indirect.gather [hbm4b:s2+s8], $0x80, s6, s8, $0xb8;
	[tilespmem:$0x18400] =	vst v63  }
0x38: {  	_ =	swait.ge [sflag:s12], $0x8000  }
0x39: {  	[sflag:s12] =	ssyncset.done $0x0  }
0x3a: {  	[sflag:s12] =	ssyncadd.s32 $0xFFFF8000  }
0x3b: {  	[hbm4b:s14+s3] =	stream.linear.scatter [tilespmem:s9], [sflag:$0x4], $0x8000, $0x38;
	[tilespmem:$0x18400] =	vst v63  }
0x3c: {  	_ =	swait.ge [sflag:s13], $0x8000  }
0x3d: {  	[sflag:s13] =	ssyncset.done $0x0  }
0x3e: {  	[sflag:s13] =	ssyncadd.s32 $0xFFFF8000  }
0x3f: {  	[tilespmem:s9], [sflag:$0x1] =	stream.indirect.gather [hbm4b:s2+s8], $0x80, s15, s8, $0xb8;
	[tilespmem:$0x18400] =	vst v63  }
0x40: {  	_ =	swait.ge [sflag:s16], $0x8000  }
0x41: {  	[sflag:s16] =	ssyncset.done $0x0  }
0x42: {  	[sflag:s16] =	ssyncadd.s32 $0xFFFF8000  }
0x43: {  	[hbm4b:s17+s3] =	stream.linear.scatter [tilespmem:s10], [sflag:$0x5], $0x8000, $0x38;
	[tilespmem:$0x18400] =	vst v63  }
0x44: {  	_ =	swait.ge [sflag:s18], $0x8000  }
0x45: {  	[sflag:s18] =	ssyncset.done $0x0  }
0x46: {  	[sflag:s18] =	ssyncadd.s32 $0xFFFF8000  }
0x47: {  	[hbm4b:s19+s3] =	stream.linear.scatter [tilespmem:s11], [sflag:$0x6], $0x8000, $0x38;
	[tilespmem:$0x18400] =	vst v63  }
0x48: {  	_ =	swait.ge [sflag:s12], $0x8000  }
0x49: {  	[sflag:s12] =	ssyncset.done $0x0  }
0x4a: {  	[sflag:s12] =	ssyncadd.s32 $0xFFFF8000  }
0x4b: {  	[hbm4b:s20+s3] =	stream.linear.scatter [tilespmem:s9], [sflag:$0x4], $0x8000, $0x38;
	[tilespmem:$0x18400] =	vst v63  }
0x4c: {  	_ =	swait.ge [sflag:s21], $0x8000  }
0x4d: {  	[sflag:s21] =	ssyncset.done $0x0  }
0x4e: {  	[sflag:s21] =	ssyncadd.s32 $0xFFFF8000  }
.Ltmp1:
0x4f: {  	_ =	swait.ge [sflag:s22], $0x8000;
	(pc) =	sbr.rel @p0 .LBB2_1-.Ltmp1, $4  }
0x50: {  	[sflag:s22] =	ssyncset.done $0x0  }
0x51: {  	[sflag:s22] =	ssyncadd.s32 $0xFFFF8000  }
0x52: {  	_ =	swait.ge [sflag:s13], $0x8000  }
0x53: {  	[sflag:s13] =	ssyncset.done $0x0  }
.LBB2_2:
0x54: {  	[sflag:s13] =	ssyncadd.s32 $0xFFFF8000  }
0x55: {  	_ =	sfence.sel $0x180000  }
0x56: {  	[bflag:$0x0] =	sbarrier.arrive $0xFFFF  }
0x57: {  	p0 =	sne.s32 s0, $0x0;
	_ =	strace $0x90000047  }
0x58: {  	s0 =	sadd.s32 @!p0 $0x100000, s1;
	[bflag:$0x2] =	sbarrier.arrive $0xFFFF  }
0x59: {  	[sflag:s0] =	ssyncadd.tile.s32 @!p0 $0x1;
	_ =	shalt  }
.Lfunc_end2:
_tile_overlayer_lowered:
.L_overlay_start_2:
0x5a: {  	(tag) =	ssettag $0x2  }
0x5b: {  	s0 =	rddreg [dreg:$0x0];
	s2 =	stileid.u32  }
0x5c: {  	s1 =	rddreg [dreg:$0x1];
	p0 =	sne.s32 s2, $0x0  }
0x5d: {  	s3 =	rddreg [dreg:$0x2];
	[bflag:$0x3] =	sbarrier.arrive $0xFFFF;
	s2 =	simm.s32 @!p0 $0x1C07  }
0x5e: {  	[timem:s3], [sflag:s2] =	dma.local @!p0 [hbm:s0], s1  }
0x5f: {  	s0 =	simm.s32 @!p0 $0x7  }
0x60: {  	_ =	swait.ge @!p0 [sflag:s0], s1  }
0x61: {  	s1 =	ssub.s32 @!p0 $0x0, s1;
	[sflag:s0] =	ssyncset.done @!p0 $0x0  }
0x62: {  	[sflag:s0] =	ssyncadd.s32 @!p0 s1  }
0x63: {  	[bflag:$0x3] =	sbarrier.arrive $0xFFFF  }
0x64: {  	_ =	shalt  }

</sc_bundles>
